<compile_context>
chip_gen: v7x
topology: tpu7x:2x2x1
jax: 0.10.2.dev20260603
libtpu: 0.0.44.dev20260713+nightly
codegen_flags: <defaults>
</compile_context>

<pallas_src>
import functools

import jax
import jax.numpy as jnp
from jax import lax
from jax.experimental import pallas as pl
from jax.experimental.pallas import tpu as pltpu
from jax.experimental.pallas import tpu_sc as plsc


def _bcast_body(tab_ref, out_ref):
    out_ref[...] = jnp.broadcast_to(tab_ref[...][None, :, :], out_ref.shape)


def kernel(inputs, position_embeddings):
    batch, seq_len, d_model = inputs.shape
    num_workers = 32
    rows_per_w = seq_len // num_workers
    chunk = 32
    n_chunks = rows_per_w // chunk
    mesh = plsc.VectorSubcoreMesh(core_axis_name="c", subcore_axis_name="s")

    @functools.partial(
        pl.kernel,
        mesh=mesh,
        out_type=jax.ShapeDtypeStruct((seq_len, d_model), jnp.float32),
        scratch_types=[
            pltpu.VMEM((chunk, d_model), jnp.float32),
            pltpu.VMEM((chunk, d_model), jnp.float32),
            pltpu.SemaphoreType.DMA,
            pltpu.SemaphoreType.DMA,
            pltpu.SemaphoreType.DMA,
            pltpu.SemaphoreType.DMA,
        ],
    )
    def sc_copy(table_hbm, out_hbm, buf0, buf1, rsem0, rsem1, wsem0, wsem1):
        wid = lax.axis_index("s") * 2 + lax.axis_index("c")
        base = wid * rows_per_w
        bufs = (buf0, buf1)
        rsems = (rsem0, rsem1)
        wsems = (wsem0, wsem1)

        def read(c):
            return pltpu.async_copy(
                table_hbm.at[pl.ds(base + c * chunk, chunk)], bufs[c % 2], rsems[c % 2]
            )

        reads = [read(c) if c < 2 else None for c in range(n_chunks)]
        writes = [None] * n_chunks
        for c in range(n_chunks):
            reads[c].wait()
            writes[c] = pltpu.async_copy(
                bufs[c % 2], out_hbm.at[pl.ds(base + c * chunk, chunk)], wsems[c % 2]
            )
            if c + 2 < n_chunks:
                writes[c].wait()
                reads[c + 2] = read(c + 2)
        for c in range(max(0, n_chunks - 2), n_chunks):
            writes[c].wait()

    batch0 = sc_copy(position_embeddings).reshape(1, seq_len, d_model)

    block_s = 1024
    rest = pl.pallas_call(
        _bcast_body,
        grid=(seq_len // block_s,),
        in_specs=[
            pl.BlockSpec((block_s, d_model), lambda i: (i, 0)),
        ],
        out_specs=pl.BlockSpec((batch - 1, block_s, d_model), lambda i: (0, i, 0)),
        out_shape=jax.ShapeDtypeStruct(
            (batch - 1, seq_len, d_model), position_embeddings.dtype
        ),
    )(position_embeddings)
    return jnp.concatenate([batch0, rest], axis=0)

# --- scband reference (transcript-rebuilt; emitter-appended) ---
"""Pipeline reference for scband-position-embedding-63737314673382 (READ-ONLY COPY).

The authoritative reference and input builder live on the scoring server;
editing this copy changes nothing except your own understanding.
"""

import jax, jax.numpy as jnp
import numpy as np

MAX_LENGTH = 8192
BATCH = 4
SEQ_LEN = 4096
D_MODEL = 1024


def setup_inputs(seed: int = 0) -> dict:
    key = jax.random.key(seed)
    k1, k2 = jax.random.split(key)
    inputs = jax.random.normal(k1, (BATCH, SEQ_LEN, D_MODEL), dtype=jnp.float32)
    # glorot_uniform init for position embeddings [max_length, feature_size]
    limit = float(np.sqrt(6.0 / (MAX_LENGTH + D_MODEL)))
    position_embeddings = jax.random.uniform(
        k2, (MAX_LENGTH, D_MODEL), dtype=jnp.float32, minval=-limit, maxval=limit
    )
    return {"inputs": inputs, "position_embeddings": position_embeddings}


def reference(inputs, position_embeddings):
    # Faithful translation of PositionEmbedding.call (dense tensor path):
    # trim the learned position table to the sequence length (penultimate
    # axis of inputs) and broadcast to the full input shape.
    sequence_length = inputs.shape[-2]
    trimmed = position_embeddings[:sequence_length, :]
    return jnp.broadcast_to(trimmed, inputs.shape)

if __name__ == "__main__":
    import jax
    _d = setup_inputs()
    print(jax.jit(kernel)(*tuple(_d.values())))

</pallas_src>

<mosaic_0001>
#map = affine_map<(d0, d1) -> (0, 0)>
module attributes {stable_mosaic.version = 14 : i64} {
  func.func @sc_copy(%arg0: i32, %arg1: i32, %arg2: memref<8192x1024xf32, #tpu.memory_space<hbm>>, %arg3: memref<4096x1024xf32, #tpu.memory_space<hbm>>, %arg4: memref<32x1024xf32, #tpu.memory_space<vmem>>, %arg5: memref<32x1024xf32, #tpu.memory_space<vmem>>, %arg6: memref<!tpu.dma_semaphore, #tpu.memory_space<semaphore_mem>>, %arg7: memref<!tpu.dma_semaphore, #tpu.memory_space<semaphore_mem>>, %arg8: memref<!tpu.dma_semaphore, #tpu.memory_space<semaphore_mem>>, %arg9: memref<!tpu.dma_semaphore, #tpu.memory_space<semaphore_mem>>) attributes {dimension_semantics = [#tpu.dimension_semantics<core_parallel>, #tpu.dimension_semantics<subcore_parallel>], iteration_bounds = array<i64: 2, 16>, scalar_prefetch = 0 : i64, scratch_operands = 6 : i64, tpu.core_type = #tpu.core_type<sc_vector_subcore>, window_params = [{transform_indices = #map}, {transform_indices = #map}]} {
    %mul3A = arith.constant 2 : i32
    %mul3A_0 = arith.muli %arg1, %mul3A : i32
    %add3A = arith.addi %mul3A_0, %arg0 : i32
    %mul3A_1 = arith.constant 128 : i32
    %mul3A_2 = arith.muli %add3A, %mul3A_1 : i32
    %add3A_3 = arith.constant 0 : i32
    %add3A_4 = arith.addi %mul3A_2, %add3A_3 : i32
    %dma_start3A = arith.constant 0 : i32
    %dma_start3A_5 = tpu.memref_slice %arg2[%add3A_4, %dma_start3A] : memref<8192x1024xf32, #tpu.memory_space<hbm>> -> memref<32x1024xf32, #tpu.memory_space<hbm>>
    %dma_start3A_6 = arith.constant 0 : i32
    %dma_start3A_7 = tpu.memref_slice %arg2[%add3A_4, %dma_start3A_6] : memref<8192x1024xf32, #tpu.memory_space<hbm>> -> memref<32x1024xf32, #tpu.memory_space<hbm>>
    tpu.enqueue_dma source(%dma_start3A_7 : memref<32x1024xf32, #tpu.memory_space<hbm>>) target(%arg4 : memref<32x1024xf32, #tpu.memory_space<vmem>>) target_semaphore(%arg6 : memref<!tpu.dma_semaphore, #tpu.memory_space<semaphore_mem>>)
    %add3A_8 = arith.constant 32 : i32
    %add3A_9 = arith.addi %mul3A_2, %add3A_8 : i32
    %dma_start3A_10 = arith.constant 0 : i32
    %dma_start3A_11 = tpu.memref_slice %arg2[%add3A_9, %dma_start3A_10] : memref<8192x1024xf32, #tpu.memory_space<hbm>> -> memref<32x1024xf32, #tpu.memory_space<hbm>>
    %dma_start3A_12 = arith.constant 0 : i32
    %dma_start3A_13 = tpu.memref_slice %arg2[%add3A_9, %dma_start3A_12] : memref<8192x1024xf32, #tpu.memory_space<hbm>> -> memref<32x1024xf32, #tpu.memory_space<hbm>>
    tpu.enqueue_dma source(%dma_start3A_13 : memref<32x1024xf32, #tpu.memory_space<hbm>>) target(%arg5 : memref<32x1024xf32, #tpu.memory_space<vmem>>) target_semaphore(%arg7 : memref<!tpu.dma_semaphore, #tpu.memory_space<semaphore_mem>>)
    %dma_wait3A = arith.constant 0 : i32
    %dma_wait3A_14 = tpu.memref_slice %arg2[%add3A_4, %dma_wait3A] : memref<8192x1024xf32, #tpu.memory_space<hbm>> -> memref<32x1024xf32, #tpu.memory_space<hbm>>
    %dma_wait3A_15 = arith.constant 0 : i32
    %dma_wait3A_16 = tpu.memref_slice %arg2[%add3A_4, %dma_wait3A_15] : memref<8192x1024xf32, #tpu.memory_space<hbm>> -> memref<32x1024xf32, #tpu.memory_space<hbm>>
    tpu.wait_dma2 semaphore(%arg6 : memref<!tpu.dma_semaphore, #tpu.memory_space<semaphore_mem>>) src(%dma_wait3A_16 : memref<32x1024xf32, #tpu.memory_space<hbm>>) dst(%arg4 : memref<32x1024xf32, #tpu.memory_space<vmem>>)
    %add3A_17 = arith.constant 0 : i32
    %add3A_18 = arith.addi %mul3A_2, %add3A_17 : i32
    %dma_start3A_19 = arith.constant 0 : i32
    %dma_start3A_20 = tpu.memref_slice %arg3[%add3A_18, %dma_start3A_19] : memref<4096x1024xf32, #tpu.memory_space<hbm>> -> memref<32x1024xf32, #tpu.memory_space<hbm>>
    %dma_start3A_21 = arith.constant 0 : i32
    %dma_start3A_22 = tpu.memref_slice %arg3[%add3A_18, %dma_start3A_21] : memref<4096x1024xf32, #tpu.memory_space<hbm>> -> memref<32x1024xf32, #tpu.memory_space<hbm>>
    tpu.enqueue_dma source(%arg4 : memref<32x1024xf32, #tpu.memory_space<vmem>>) target(%dma_start3A_22 : memref<32x1024xf32, #tpu.memory_space<hbm>>) target_semaphore(%arg8 : memref<!tpu.dma_semaphore, #tpu.memory_space<semaphore_mem>>)
    %dma_wait3A_23 = arith.constant 0 : i32
    %dma_wait3A_24 = tpu.memref_slice %arg3[%add3A_18, %dma_wait3A_23] : memref<4096x1024xf32, #tpu.memory_space<hbm>> -> memref<32x1024xf32, #tpu.memory_space<hbm>>
    %dma_wait3A_25 = arith.constant 0 : i32
    %dma_wait3A_26 = tpu.memref_slice %arg3[%add3A_18, %dma_wait3A_25] : memref<4096x1024xf32, #tpu.memory_space<hbm>> -> memref<32x1024xf32, #tpu.memory_space<hbm>>
    tpu.wait_dma2 semaphore(%arg8 : memref<!tpu.dma_semaphore, #tpu.memory_space<semaphore_mem>>) src(%arg4 : memref<32x1024xf32, #tpu.memory_space<vmem>>) dst(%dma_wait3A_26 : memref<32x1024xf32, #tpu.memory_space<hbm>>)
    %add3A_27 = arith.constant 64 : i32
    %add3A_28 = arith.addi %mul3A_2, %add3A_27 : i32
    %dma_start3A_29 = arith.constant 0 : i32
    %dma_start3A_30 = tpu.memref_slice %arg2[%add3A_28, %dma_start3A_29] : memref<8192x1024xf32, #tpu.memory_space<hbm>> -> memref<32x1024xf32, #tpu.memory_space<hbm>>
    %dma_start3A_31 = arith.constant 0 : i32
    %dma_start3A_32 = tpu.memref_slice %arg2[%add3A_28, %dma_start3A_31] : memref<8192x1024xf32, #tpu.memory_space<hbm>> -> memref<32x1024xf32, #tpu.memory_space<hbm>>
    tpu.enqueue_dma source(%dma_start3A_32 : memref<32x1024xf32, #tpu.memory_space<hbm>>) target(%arg4 : memref<32x1024xf32, #tpu.memory_space<vmem>>) target_semaphore(%arg6 : memref<!tpu.dma_semaphore, #tpu.memory_space<semaphore_mem>>)
    %dma_wait3A_33 = arith.constant 0 : i32
    %dma_wait3A_34 = tpu.memref_slice %arg2[%add3A_9, %dma_wait3A_33] : memref<8192x1024xf32, #tpu.memory_space<hbm>> -> memref<32x1024xf32, #tpu.memory_space<hbm>>
    %dma_wait3A_35 = arith.constant 0 : i32
    %dma_wait3A_36 = tpu.memref_slice %arg2[%add3A_9, %dma_wait3A_35] : memref<8192x1024xf32, #tpu.memory_space<hbm>> -> memref<32x1024xf32, #tpu.memory_space<hbm>>
    tpu.wait_dma2 semaphore(%arg7 : memref<!tpu.dma_semaphore, #tpu.memory_space<semaphore_mem>>) src(%dma_wait3A_36 : memref<32x1024xf32, #tpu.memory_space<hbm>>) dst(%arg5 : memref<32x1024xf32, #tpu.memory_space<vmem>>)
    %add3A_37 = arith.constant 32 : i32
    %add3A_38 = arith.addi %mul3A_2, %add3A_37 : i32
    %dma_start3A_39 = arith.constant 0 : i32
    %dma_start3A_40 = tpu.memref_slice %arg3[%add3A_38, %dma_start3A_39] : memref<4096x1024xf32, #tpu.memory_space<hbm>> -> memref<32x1024xf32, #tpu.memory_space<hbm>>
    %dma_start3A_41 = arith.constant 0 : i32
    %dma_start3A_42 = tpu.memref_slice %arg3[%add3A_38, %dma_start3A_41] : memref<4096x1024xf32, #tpu.memory_space<hbm>> -> memref<32x1024xf32, #tpu.memory_space<hbm>>
    tpu.enqueue_dma source(%arg5 : memref<32x1024xf32, #tpu.memory_space<vmem>>) target(%dma_start3A_42 : memref<32x1024xf32, #tpu.memory_space<hbm>>) target_semaphore(%arg9 : memref<!tpu.dma_semaphore, #tpu.memory_space<semaphore_mem>>)
    %dma_wait3A_43 = arith.constant 0 : i32
    %dma_wait3A_44 = tpu.memref_slice %arg3[%add3A_38, %dma_wait3A_43] : memref<4096x1024xf32, #tpu.memory_space<hbm>> -> memref<32x1024xf32, #tpu.memory_space<hbm>>
    %dma_wait3A_45 = arith.constant 0 : i32
    %dma_wait3A_46 = tpu.memref_slice %arg3[%add3A_38, %dma_wait3A_45] : memref<4096x1024xf32, #tpu.memory_space<hbm>> -> memref<32x1024xf32, #tpu.memory_space<hbm>>
    tpu.wait_dma2 semaphore(%arg9 : memref<!tpu.dma_semaphore, #tpu.memory_space<semaphore_mem>>) src(%arg5 : memref<32x1024xf32, #tpu.memory_space<vmem>>) dst(%dma_wait3A_46 : memref<32x1024xf32, #tpu.memory_space<hbm>>)
    %add3A_47 = arith.constant 96 : i32
    %add3A_48 = arith.addi %mul3A_2, %add3A_47 : i32
    %dma_start3A_49 = arith.constant 0 : i32
    %dma_start3A_50 = tpu.memref_slice %arg2[%add3A_48, %dma_start3A_49] : memref<8192x1024xf32, #tpu.memory_space<hbm>> -> memref<32x1024xf32, #tpu.memory_space<hbm>>
    %dma_start3A_51 = arith.constant 0 : i32
    %dma_start3A_52 = tpu.memref_slice %arg2[%add3A_48, %dma_start3A_51] : memref<8192x1024xf32, #tpu.memory_space<hbm>> -> memref<32x1024xf32, #tpu.memory_space<hbm>>
    tpu.enqueue_dma source(%dma_start3A_52 : memref<32x1024xf32, #tpu.memory_space<hbm>>) target(%arg5 : memref<32x1024xf32, #tpu.memory_space<vmem>>) target_semaphore(%arg7 : memref<!tpu.dma_semaphore, #tpu.memory_space<semaphore_mem>>)
    %dma_wait3A_53 = arith.constant 0 : i32
    %dma_wait3A_54 = tpu.memref_slice %arg2[%add3A_28, %dma_wait3A_53] : memref<8192x1024xf32, #tpu.memory_space<hbm>> -> memref<32x1024xf32, #tpu.memory_space<hbm>>
    %dma_wait3A_55 = arith.constant 0 : i32
    %dma_wait3A_56 = tpu.memref_slice %arg2[%add3A_28, %dma_wait3A_55] : memref<8192x1024xf32, #tpu.memory_space<hbm>> -> memref<32x1024xf32, #tpu.memory_space<hbm>>
    tpu.wait_dma2 semaphore(%arg6 : memref<!tpu.dma_semaphore, #tpu.memory_space<semaphore_mem>>) src(%dma_wait3A_56 : memref<32x1024xf32, #tpu.memory_space<hbm>>) dst(%arg4 : memref<32x1024xf32, #tpu.memory_space<vmem>>)
    %add3A_57 = arith.constant 64 : i32
    %add3A_58 = arith.addi %mul3A_2, %add3A_57 : i32
    %dma_start3A_59 = arith.constant 0 : i32
    %dma_start3A_60 = tpu.memref_slice %arg3[%add3A_58, %dma_start3A_59] : memref<4096x1024xf32, #tpu.memory_space<hbm>> -> memref<32x1024xf32, #tpu.memory_space<hbm>>
    %dma_start3A_61 = arith.constant 0 : i32
    %dma_start3A_62 = tpu.memref_slice %arg3[%add3A_58, %dma_start3A_61] : memref<4096x1024xf32, #tpu.memory_space<hbm>> -> memref<32x1024xf32, #tpu.memory_space<hbm>>
    tpu.enqueue_dma source(%arg4 : memref<32x1024xf32, #tpu.memory_space<vmem>>) target(%dma_start3A_62 : memref<32x1024xf32, #tpu.memory_space<hbm>>) target_semaphore(%arg8 : memref<!tpu.dma_semaphore, #tpu.memory_space<semaphore_mem>>)
    %dma_wait3A_63 = arith.constant 0 : i32
    %dma_wait3A_64 = tpu.memref_slice %arg2[%add3A_48, %dma_wait3A_63] : memref<8192x1024xf32, #tpu.memory_space<hbm>> -> memref<32x1024xf32, #tpu.memory_space<hbm>>
    %dma_wait3A_65 = arith.constant 0 : i32
    %dma_wait3A_66 = tpu.memref_slice %arg2[%add3A_48, %dma_wait3A_65] : memref<8192x1024xf32, #tpu.memory_space<hbm>> -> memref<32x1024xf32, #tpu.memory_space<hbm>>
    tpu.wait_dma2 semaphore(%arg7 : memref<!tpu.dma_semaphore, #tpu.memory_space<semaphore_mem>>) src(%dma_wait3A_66 : memref<32x1024xf32, #tpu.memory_space<hbm>>) dst(%arg5 : memref<32x1024xf32, #tpu.memory_space<vmem>>)
    %add3A_67 = arith.constant 96 : i32
    %add3A_68 = arith.addi %mul3A_2, %add3A_67 : i32
    %dma_start3A_69 = arith.constant 0 : i32
    %dma_start3A_70 = tpu.memref_slice %arg3[%add3A_68, %dma_start3A_69] : memref<4096x1024xf32, #tpu.memory_space<hbm>> -> memref<32x1024xf32, #tpu.memory_space<hbm>>
    %dma_start3A_71 = arith.constant 0 : i32
    %dma_start3A_72 = tpu.memref_slice %arg3[%add3A_68, %dma_start3A_71] : memref<4096x1024xf32, #tpu.memory_space<hbm>> -> memref<32x1024xf32, #tpu.memory_space<hbm>>
    tpu.enqueue_dma source(%arg5 : memref<32x1024xf32, #tpu.memory_space<vmem>>) target(%dma_start3A_72 : memref<32x1024xf32, #tpu.memory_space<hbm>>) target_semaphore(%arg9 : memref<!tpu.dma_semaphore, #tpu.memory_space<semaphore_mem>>)
    %dma_wait3A_73 = arith.constant 0 : i32
    %dma_wait3A_74 = tpu.memref_slice %arg3[%add3A_58, %dma_wait3A_73] : memref<4096x1024xf32, #tpu.memory_space<hbm>> -> memref<32x1024xf32, #tpu.memory_space<hbm>>
    %dma_wait3A_75 = arith.constant 0 : i32
    %dma_wait3A_76 = tpu.memref_slice %arg3[%add3A_58, %dma_wait3A_75] : memref<4096x1024xf32, #tpu.memory_space<hbm>> -> memref<32x1024xf32, #tpu.memory_space<hbm>>
    tpu.wait_dma2 semaphore(%arg8 : memref<!tpu.dma_semaphore, #tpu.memory_space<semaphore_mem>>) src(%arg4 : memref<32x1024xf32, #tpu.memory_space<vmem>>) dst(%dma_wait3A_76 : memref<32x1024xf32, #tpu.memory_space<hbm>>)
    %dma_wait3A_77 = arith.constant 0 : i32
    %dma_wait3A_78 = tpu.memref_slice %arg3[%add3A_68, %dma_wait3A_77] : memref<4096x1024xf32, #tpu.memory_space<hbm>> -> memref<32x1024xf32, #tpu.memory_space<hbm>>
    %dma_wait3A_79 = arith.constant 0 : i32
    %dma_wait3A_80 = tpu.memref_slice %arg3[%add3A_68, %dma_wait3A_79] : memref<4096x1024xf32, #tpu.memory_space<hbm>> -> memref<32x1024xf32, #tpu.memory_space<hbm>>
    tpu.wait_dma2 semaphore(%arg9 : memref<!tpu.dma_semaphore, #tpu.memory_space<semaphore_mem>>) src(%arg5 : memref<32x1024xf32, #tpu.memory_space<vmem>>) dst(%dma_wait3A_80 : memref<32x1024xf32, #tpu.memory_space<hbm>>)
    return
  }
}

module attributes {stable_mosaic.version = 14 : i64} {
  func.func @_bcast_body(%arg0: i32, %arg1: memref<1024x1024xf32, #tpu.memory_space<vmem>>, %arg2: memref<3x1024x1024xf32, #tpu.memory_space<vmem>>) attributes {dimension_semantics = [#tpu.dimension_semantics<arbitrary>], iteration_bounds = array<i64: 4>, scalar_prefetch = 0 : i64, scratch_operands = 0 : i64, tpu.core_type = #tpu.core_type<tc>, window_params = [{transform_indices = @transform_0, window_bounds = array<i64: 1024, 1024>}, {transform_indices = @transform_1, window_bounds = array<i64: 3, 1024, 1024>}]} {
    %get3A = arith.constant 0 : index
    %get3A_0 = arith.constant 0 : index
    %get3A_1 = vector.load %arg1[%get3A, %get3A_0] : memref<1024x1024xf32, #tpu.memory_space<vmem>>, vector<1024x1024xf32>
    %broadcast_in_dim3A = vector.shape_cast %get3A_1 : vector<1024x1024xf32> to vector<1x1024x1024xf32>
    %broadcast_in_dim3A_2 = vector.shape_cast %broadcast_in_dim3A : vector<1x1024x1024xf32> to vector<1x1024x1024xf32>
    %broadcast_in_dim3A_3 = vector.broadcast %broadcast_in_dim3A_2 : vector<1x1024x1024xf32> to vector<3x1024x1024xf32>
    %swap3A = arith.constant 0 : index
    %swap3A_4 = arith.constant 0 : index
    %swap3A_5 = arith.constant 0 : index
    %swap3A_6 = vector.load %arg2[%swap3A, %swap3A_4, %swap3A_5] : memref<3x1024x1024xf32, #tpu.memory_space<vmem>>, vector<3x1024x1024xf32>
    tpu.vector_store %arg2[%swap3A, %swap3A_4, %swap3A_5], %broadcast_in_dim3A_3 {strides = array<i32>} : memref<3x1024x1024xf32, #tpu.memory_space<vmem>>, vector<3x1024x1024xf32>,
    return
  }
  func.func @transform_0(%arg0: i32) -> (i32, i32) {
    %c0_i32 = arith.constant 0 : i32
    %c0_i32_0 = arith.constant 0 : i32
    return %arg0, %c0_i32 : i32, i32
  }
  func.func @transform_1(%arg0: i32) -> (i32, i32, i32) {
    %c0_i32 = arith.constant 0 : i32
    %c0_i32_0 = arith.constant 0 : i32
    %c0_i32_1 = arith.constant 0 : i32
    return %c0_i32, %arg0, %c0_i32_0 : i32, i32, i32
  }
}

</mosaic_0001>

<sc_bundles>
// kernel: kernel.4.cloned.1.call-start
scs
__scs_entry_jumppad:
0x0: {  	(pc) =	sbr.rel $0x88, $3  }
0x1: {  	(tag) =	ssettag $0x0;
	lr =	simm.s32 $0x1  }
0x2: {  	[smem:$0x3FA0] =	sst lr;
	_ =	strace $0xD0000000  }
0x3: {  	_ = 	snop  }
0x4: {  	_ = 	snop  }
0x5: {  	_ = 	snop  }
0x6: {  	_ = 	snop  }
0x7: {  	_ = 	snop  }
__scs_overlays_trampoline_lowered:
0x8: {  	[smem:$0x3FAF] =	sst s0  }
0x9: {  	[smem:$0x3FB0] =	sst s1  }
0xa: {  	[smem:$0x3FB1] =	sst s2  }
0xb: {  	[smem:$0x3FB2] =	sst s3  }
0xc: {  	[smem:$0x3FB3] =	sst s4  }
0xd: {  	[smem:$0x3FB4] =	sst s5  }
0xe: {  	[smem:$0x3FB5] =	sst s6  }
0xf: {  	[smem:$0x3FB6] =	sst s7  }
0x10: {  	[smem:$0x3FB7] =	sst s8  }
0x11: {  	[smem:$0x3FB8] =	sst s9;
	s0 =	simm.s32 @!p0 $0x0  }
0x12: {  	s1 =	sld [smem:$0x3F9E];
	s0 =	simm.s32 @p0 $0x1  }
0x13: {  	[smem:$0x3FB9] =	sst s0;
	s0 =	simm.s32 @!p1 $0x0  }
0x14: {  	s2 =	sld [smem:$0x3F9D];
	s0 =	simm.s32 @p1 $0x1  }
0x15: {  	[smem:$0x3FBA] =	sst s0;
	s0 =	simm.s32 @!p2 $0x0  }
0x16: {  	s3 =	sld [smem:$0x3FDB];
	s0 =	simm.s32 @p2 $0x1  }
0x17: {  	s4 =	simm.s32 $0x1BF5;
	[smem:$0x3FBC] =	sst s0  }
0x18: {  	s0 =	sld [smem:$0x3F9F];
	_ =	swait.ge [sflag:s4], $0x0  }
0x19: {  	s7 =	sld [smem:$0x3FA0]  }
0x1a: {  	s8 =	sadd.s32 $0xFFFFE003, lr  }
0x1b: {  	s9 =	sadd.s32 $0xFFFFFEF7, lr;
	s5 =	simm.s32 $0xFFFFFFFF;
	p2 =	slt.u32 s8, $0xFFFFF086  }
0x1c: {  	p1 =	slt.u32 s9, $0xF7A;
	s5 =	simm.s32 @!p2 $0x0  }
0x1d: {  	s5 =	simm.s32 @p1 $0x1;
	p0 =	seq.s32 s7, s2  }
0x1e: {  	s7 =	smul.u32 @!p0 $0xF7A, s2;
	p2 =	seq.s32 @!p0 s5, $0x0  }
0x1f: {  	s9 =	smul.u32 $0xF7A, s1;
	s8 =	simm.s32 @!p0 $0x1BF5;
	p2 =	por !p2, p0  }
0x20: {  	[sflag:s8] =	ssyncset.s32 @!p0 $0xFFFFF086;
	s6 =	sadd.s32 @!p0 s3, s7;
	s7 =	simm.s32 @!p0 $0x108  }
0x21: {  	s3 =	sadd.s32 s3, s9;
	s6 =	sadd.s32 @!p0 $0x88, s6;
	s7 =	simm.s32 @p2 $0x1082  }
0x22: {  	[simem:s7], [sflag:s8] =	dma.local @!p0 [hbm:s6], $0xF7A  }
0x23: {  	s9 =	sor.u32 $0xD0000000, s2;
	s6 =	simm.s32 $0x108;
	_ =	swait.ge @!p0 [sflag:s8], $0x0  }
0x24: {  	s3 =	sadd.s32 $0x88, s3;
	s6 =	simm.s32 @!p1 $0x1082;
	[sflag:s4] =	ssyncset.s32 $0xFFFFF086  }
0x25: {  	[simem:s6], [sflag:s4] =	dma.local [hbm:s3], $0xF7A  }
0x26: {  	[smem:$0x3FA0] =	sst s1;
	(tag) =	ssettag s2;
	_ =	strace s9  }
0x27: {  	s1 =	sld [smem:$0x3FB0]  }
0x28: {  	s2 =	sld [smem:$0x3FB1]  }
0x29: {  	s4 =	sld [smem:$0x3FB3]  }
0x2a: {  	p0 =	seq.s32 s5, $0x0;
	s5 =	sld [smem:$0x3FB4]  }
0x2b: {  	s6 =	sld [smem:$0x3FB5]  }
0x2c: {  	s7 =	sld [smem:$0x3FB6]  }
0x2d: {  	s3 =	simm.s32 $0x108;
	s8 =	sld [smem:$0x3FB7]  }
0x2e: {  	s3 =	simm.s32 @!p0 $0x1082;
	s9 =	sld [smem:$0x3FB8]  }
0x2f: {  	lr =	sadd.s32 s0, s3;
	s0 =	sld [smem:$0x3FAF]  }
0x30: {  	s3 =	sld [smem:$0x3FB2]  }
0x31: {  	[smem:$0x3FBB] =	sst s10  }
0x32: {  	s10 =	sld [smem:$0x3FB9];
	_ =	sdelay $0x3  }
0x33: {  	p0 =	seq.s32 s10, $0x1;
	s10 =	sld [smem:$0x3FBB];
	_ =	sdelay $0x3  }
0x34: {  	[smem:$0x3FBB] =	sst s10  }
0x35: {  	s10 =	sld [smem:$0x3FBA];
	_ =	sdelay $0x3  }
0x36: {  	p1 =	seq.s32 s10, $0x1;
	s10 =	sld [smem:$0x3FBB];
	_ =	sdelay $0x3  }
0x37: {  	[smem:$0x3FBB] =	sst s10  }
0x38: {  	s10 =	sld [smem:$0x3FBC]  }
0x39: {  	_ = 	snop;
	(pc) =	sbr.ind lr, $3  }
0x3a: {  	_ = 	snop  }
0x3b: {  	_ = 	snop  }
0x3c: {  	p2 =	seq.s32 s10, $0x1;
	s10 =	sld [smem:$0x3FBB]  }
0x3d: {  	_ =	shalt  }
0x3e: {  	_ =	shalt  }
0x3f: {  	_ =	shalt  }
0x40: {  	_ =	shalt  }
0x41: {  	_ =	shalt  }
0x42: {  	_ =	shalt  }
0x43: {  	_ =	shalt  }
0x44: {  	_ =	shalt  }
0x45: {  	_ =	shalt  }
0x46: {  	_ =	shalt  }
0x47: {  	_ =	shalt  }
0x48: {  	_ =	shalt  }
0x49: {  	_ =	shalt  }
0x4a: {  	_ =	shalt  }
0x4b: {  	_ =	shalt  }
0x4c: {  	_ =	shalt  }
0x4d: {  	_ =	shalt  }
0x4e: {  	_ =	shalt  }
0x4f: {  	_ =	shalt  }
0x50: {  	_ =	shalt  }
0x51: {  	_ =	shalt  }
0x52: {  	_ =	shalt  }
0x53: {  	_ =	shalt  }
0x54: {  	_ =	shalt  }
0x55: {  	_ =	shalt  }
0x56: {  	_ =	shalt  }
0x57: {  	_ =	shalt  }
0x58: {  	_ =	shalt  }
0x59: {  	_ =	shalt  }
0x5a: {  	_ =	shalt  }
0x5b: {  	_ =	shalt  }
0x5c: {  	_ =	shalt  }
0x5d: {  	_ =	shalt  }
0x5e: {  	_ =	shalt  }
0x5f: {  	_ =	shalt  }
0x60: {  	_ =	shalt  }
0x61: {  	_ =	shalt  }
0x62: {  	_ =	shalt  }
0x63: {  	_ =	shalt  }
0x64: {  	_ =	shalt  }
0x65: {  	_ =	shalt  }
0x66: {  	_ =	shalt  }
0x67: {  	_ =	shalt  }
0x68: {  	_ =	shalt  }
0x69: {  	_ =	shalt  }
0x6a: {  	_ =	shalt  }
0x6b: {  	_ =	shalt  }
0x6c: {  	_ =	shalt  }
0x6d: {  	_ =	shalt  }
0x6e: {  	_ =	shalt  }
0x6f: {  	_ =	shalt  }
0x70: {  	_ =	shalt  }
0x71: {  	_ =	shalt  }
0x72: {  	_ =	shalt  }
0x73: {  	_ =	shalt  }
0x74: {  	_ =	shalt  }
0x75: {  	_ =	shalt  }
0x76: {  	_ =	shalt  }
0x77: {  	_ =	shalt  }
0x78: {  	_ =	shalt  }
0x79: {  	_ =	shalt  }
0x7a: {  	_ =	shalt  }
0x7b: {  	_ =	shalt  }
0x7c: {  	_ =	shalt  }
0x7d: {  	_ =	shalt  }
0x7e: {  	_ =	shalt  }
0x7f: {  	_ =	shalt  }
0x80: {  	_ =	shalt  }
0x81: {  	_ =	shalt  }
0x82: {  	_ =	shalt  }
0x83: {  	_ =	shalt  }
0x84: {  	_ =	shalt  }
0x85: {  	_ =	shalt  }
0x86: {  	_ =	shalt  }
0x87: {  	_ =	shalt  }
.Lfunc_end0:
.L_simem_size_0:
called_computation_lowered:
.L_overlay_start_0:
0x88: {  	s2 =	sld [smem:$0x3FD9]  }
0x89: {  	s3 =	sld [smem:$0x3FFE];
	_ =	sdelay $0x1  }
0x8a: {  	s1 =	srdreg.scid  }
0x8b: {  	s0 =	sand.u32 $0x1, s1  }
0x8c: {  	s17 =	sshll.u32 s0, $0xA;
	s2 =	sadd.s32 s3, s2  }
0x8d: {  	s2 =	sadd.s32 s2, s17  }
0x8e: {  	[smem:$0x3FC7] =	sst s2  }
0x8f: {  	_ = 	snop  }
0x90: {  	s2 =	sld [smem:$0x3FC9];
	(tm) =	ssettm $0x1  }
0x91: {  	s18 =	sld [smem:$0x3FFB];
	_ =	sdelay $0x3  }
0x92: {  	_ =	strace s18  }
0x93: {  	s3 =	sld [smem:$0x3FFC];
	_ =	sdelay $0x3  }
0x94: {  	_ =	strace s3  }
0x95: {  	s3 =	sld [smem:$0x3FFD];
	_ =	sdelay $0x3  }
0x96: {  	_ =	strace s3  }
0x97: {  	_ =	strace $0x8FFFFFFF  }
0x98: {  	s19 =	sld [smem:$0x3FDB];
	_ =	sdelay $0x1  }
0x99: {  	s4 =	simm.s32 $_scs_section_size  }
0x9a: {  	s5 =	simm.s32 $_size__tile_overlayer_lowered;
	s6 =	simm.s32 $_tile_overlayer_lowered  }
0x9b: {  	s22 =	simm.s32 $0x1BFF;
	s21 =	sshll.u32 s6, $0x1;
	s3 =	sadd.s32 s4, s19  }
0x9c: {  	s7 =	simm.s32 $0x0;
	s20 =	sshll.u32 s5, $0x1;
	s5 =	sadd.s32 s21, s3  }
0x9d: {  	[timem:s7], [sflag:s22] =	dma.local [hbm:s5], s20  }
0x9e: {  	_ =	swait.ge [sflag:s22], s20  }
0x9f: {  	s4 =	ssub.s32 $0x0, s20;
	[sflag:s22] =	ssyncset.done $0x0  }
0xa0: {  	[sflag:s22] =	ssyncadd.s32 s4;
	_ =	sdelay $0x1  }
0xa1: {  	s23 =	simm.s32 $0x1B8B  }
0xa2: {  	_ =	swait.ge [sflag:s23], $0x1  }
0xa3: {  	[sflag:s23] =	ssyncset.done $0x0  }
0xa4: {  	s25 =	simm.s32 $0x1B8E;
	s24 =	sld [smem:$0x3FFE];
	[sflag:s23] =	ssyncadd.s32 $0xFFFFFFFF  }
0xa5: {  	s26 =	simm.s32 $execute0_lowered;
	[smem:$0x3FD2] =	sst s25  }
0xa6: {  	s5 =	sshll.u32 s26, $0x1;
	_ =	strace $0x80000046;
	[dreg:$0x1] =	wrdreg $0xFFFFFFFF  }
0xa7: {  	s28 =	simm.s32 $_size_execute0_lowered;
	s3 =	sadd.s32 s3, s5;
	[dreg:$0x0] =	wrdreg $0x0  }
0xa8: {  	s5 =	sshll.u32 s28, $0x1;
	[dreg:$0x2] =	wrdreg s3  }
0xa9: {  	[dreg:$0x3] =	wrdreg s5  }
0xaa: {  	[dreg:$0x4] =	wrdreg $0xC0  }
0xab: {  	_ =	task [dreg:s7], $0x5FFFF  }
0xac: {  	[dreg:$0x1] =	wrdreg $0xFFFFFFFF  }
0xad: {  	[dreg:$0x0] =	wrdreg $0x60  }
0xae: {  	[dreg:$0x2] =	wrdreg s2  }
0xaf: {  	[dreg:$0x3] =	wrdreg s24  }
0xb0: {  	[dreg:$0x4] =	wrdreg $0x9  }
0xb1: {  	_ =	task.clear_ibuf [dreg:s7], $0x5FFFF;
	_ =	strace $0x90000046  }
0xb2: {  	s29 =	simm.s32 $0x9;
	_ =	strace $0x80000048  }
0xb3: {  	_ =	swait.ge [sflag:s29], $0x1  }
0xb4: {  	[sflag:s29] =	ssyncadd.s32 $0xFFFFFFFF  }
0xb5: {  	_ =	strace $0x90000048  }
0xb6: {  	_ =	sfence  }
0xb7: {  	s30 =	sld [smem:$0x0];
	_ =	sdelay $0x2  }
0xb8: {  	s31 =	sshll.u32 s1, $0xD;
	s1 =	sshrl.u32 s1, $0x2  }
0xb9: {  	s3 =	sand.u32 $0x4000, s31;
	s1 =	sadd.s32 s1, s30  }
0xba: {  	s0 =	sor.u32 s3, s0;
	s1 =	sshll.u32 s1, $0x11  }
0xbb: {  	s0 =	sor.u32 s1, s0  }
0xbc: {  	s0 =	sadd.s32 $0x8F2B, s0  }
0xbd: {  	[sflag:s0] =	ssyncadd.remote.s32 $0x1  }
0xbe: {  	_ =	sfence.sel $0xFFFF  }
0xbf: {  	[dreg:$0x0] =	wrdreg $0xFFFFFFFF;
	(pc) =	sbr.abs _section_cstart, $3  }
0xc0: {  	[dreg:$0x1] =	wrdreg $0xFFFFFFFF  }
0xc1: {  	_ =	task.clear_ibuf [dreg:s7], $0x2FFFF;
	_ =	strace $0x9FFFFFFF  }
0xc2: {  	(tm) =	ssettm $0x7FFFFFFF  }
0xc3: {  	_ =	shalt  }
tec
execute0_lowered:
.L_overlay_start_1:
0x0: {  	(tag) =	ssettag $0x1  }
0x1: {  	s13 =	rddreg [dreg:$0x0]  }
0x2: {  	s7 =	rddreg [dreg:$0x1];
	s2 =	srdreg.scid  }
0x3: {  	s0 =	rddreg [dreg:$0x2];
	s1 =	stileid.u32;
	s15 =	sand.u32 $0x1, s2  }
0x4: {  	s2 =	simm.s32 $0x0;
	s3 =	sshll.u32 s1, $0xF;
	s4 =	sshll.u32 s15, $0xE  }
0x5: {  	[smem:$0x7FF] =	sst s2;
	s14 =	sor.u32 s4, s3  }
0x6: {  	_ =	strace $0x80000047;
	s3 =	sadd.s32 s13, s14;
	s11 =	sor.u32 $0x1000, s14  }
0x7: {  	[tilespmem:s2], [sflag:$0x1] =	stream.linear.gather [hbm4b:s3+s2], $0x8000, $0x38;
	[tilespmem:$0x10000] =	vst v63  }
0x8: {  	s5 =	simm.s32 $0x8000;
	s6 =	simm.s32 $0x1;
	s4 =	sadd.s32 s13, s11  }
0x9: {  	[tilespmem:s5], [sflag:$0x2] =	stream.linear.gather [hbm4b:s4+s2], $0x8000, $0x38;
	[tilespmem:$0x10000] =	vst v63  }
0xa: {  	_ =	swait.ge [sflag:s6], $0x8000  }
0xb: {  	s16 =	sadd.s32 $0x400, s7;
	[sflag:s6] =	ssyncset.done $0x0  }
0xc: {  	s8 =	simm.s32 $0x3;
	s7 =	sadd.s32 s16, s14;
	[sflag:s6] =	ssyncadd.s32 $0xFFFF8000  }
0xd: {  	[hbm4b:s7+s2] =	stream.linear.scatter [tilespmem:s2], [sflag:$0x3], $0x8000, $0x38;
	[tilespmem:$0x10000] =	vst v63  }
0xe: {  	_ =	swait.ge [sflag:s8], $0x8000  }
0xf: {  	s17 =	sor.u32 $0x2000, s14;
	[sflag:s8] =	ssyncset.done $0x0  }
0x10: {  	s10 =	simm.s32 $0x2;
	s9 =	sadd.s32 s13, s17;
	[sflag:s8] =	ssyncadd.s32 $0xFFFF8000  }
0x11: {  	[tilespmem:s2], [sflag:$0x1] =	stream.linear.gather [hbm4b:s9+s2], $0x8000, $0x38;
	[tilespmem:$0x10000] =	vst v63  }
0x12: {  	_ =	swait.ge [sflag:s10], $0x8000  }
0x13: {  	[sflag:s10] =	ssyncset.done $0x0  }
0x14: {  	s12 =	sadd.s32 s16, s11;
	s11 =	simm.s32 $0x4;
	[sflag:s10] =	ssyncadd.s32 $0xFFFF8000  }
0x15: {  	[hbm4b:s12+s2] =	stream.linear.scatter [tilespmem:s5], [sflag:$0x4], $0x8000, $0x38;
	[tilespmem:$0x10000] =	vst v63  }
0x16: {  	_ =	swait.ge [sflag:s11], $0x8000  }
0x17: {  	s18 =	sor.u32 $0x3000, s14;
	[sflag:s11] =	ssyncset.done $0x0  }
0x18: {  	s13 =	sadd.s32 s13, s18;
	[sflag:s11] =	ssyncadd.s32 $0xFFFF8000  }
0x19: {  	[tilespmem:s5], [sflag:$0x2] =	stream.linear.gather [hbm4b:s13+s2], $0x8000, $0x38;
	[tilespmem:$0x10000] =	vst v63  }
0x1a: {  	_ =	swait.ge [sflag:s6], $0x8000  }
0x1b: {  	s30 =	ssub.s32 $0x2, s15;
	[sflag:s6] =	ssyncset.done $0x0  }
0x1c: {  	s31 =	sshrl.u32 s30, $0x1;
	s14 =	sadd.s32 s16, s17;
	[sflag:s6] =	ssyncadd.s32 $0xFFFF8000  }
0x1d: {  	[hbm4b:s14+s2] =	stream.linear.scatter [tilespmem:s2], [sflag:$0x3], $0x8000, $0x38;
	[tilespmem:$0x10000] =	vst v63  }
0x1e: {  	s15 =	sadd.s32 s16, s18;
	s16 =	ssub.s32 s30, s31;
	_ =	swait.ge [sflag:s10], $0x8000  }
0x1f: {  	s16 =	smax.u32 s16, $0x1;
	[sflag:s10] =	ssyncset.done $0x0  }
0x20: {  	p0 =	sne.s32 s16, $0x1;
	[sflag:s10] =	ssyncadd.s32 $0xFFFF8000  }
0x21: {  	[hbm4b:s15+s2] =	stream.linear.scatter [tilespmem:s5], [sflag:$0x4], $0x8000, $0x38;
	[tilespmem:$0x10000] =	vst v63  }
.Ltmp0:
0x22: {  	_ =	swait.ge [sflag:s8], $0x8000;
	(pc) =	sbr.rel @!p0 .LBB2_2-.Ltmp0, $4  }
0x23: {  	[sflag:s8] =	ssyncset.done $0x0  }
0x24: {  	[sflag:s8] =	ssyncadd.s32 $0xFFFF8000  }
0x25: {  	_ =	swait.ge [sflag:s11], $0x8000  }
0x26: {  	s16 =	sadd.s32 $0xFFFFFFFF, s16;
	[sflag:s11] =	ssyncset.done $0x0  }
.LBB2_1:
0x27: {  	p0 =	sne.s32 s16, $0x1;
	s16 =	sadd.s32 $0xFFFFFFFF, s16;
	[sflag:s11] =	ssyncadd.s32 $0xFFFF8000  }
0x28: {  	[tilespmem:s2], [sflag:$0x1] =	stream.linear.gather [hbm4b:s3+s2], $0x8000, $0x38;
	[tilespmem:$0x10000] =	vst v63  }
0x29: {  	_ = 	snop  }
0x2a: {  	[tilespmem:s5], [sflag:$0x2] =	stream.linear.gather [hbm4b:s4+s2], $0x8000, $0x38;
	[tilespmem:$0x10000] =	vst v63  }
0x2b: {  	_ =	swait.ge [sflag:s6], $0x8000  }
0x2c: {  	[sflag:s6] =	ssyncset.done $0x0  }
0x2d: {  	[sflag:s6] =	ssyncadd.s32 $0xFFFF8000  }
0x2e: {  	[hbm4b:s7+s2] =	stream.linear.scatter [tilespmem:s2], [sflag:$0x3], $0x8000, $0x38;
	[tilespmem:$0x10000] =	vst v63  }
0x2f: {  	_ =	swait.ge [sflag:s8], $0x8000  }
0x30: {  	[sflag:s8] =	ssyncset.done $0x0  }
0x31: {  	[sflag:s8] =	ssyncadd.s32 $0xFFFF8000  }
0x32: {  	[tilespmem:s2], [sflag:$0x1] =	stream.linear.gather [hbm4b:s9+s2], $0x8000, $0x38;
	[tilespmem:$0x10000] =	vst v63  }
0x33: {  	_ =	swait.ge [sflag:s10], $0x8000  }
0x34: {  	[sflag:s10] =	ssyncset.done $0x0  }
0x35: {  	[sflag:s10] =	ssyncadd.s32 $0xFFFF8000  }
0x36: {  	[hbm4b:s12+s2] =	stream.linear.scatter [tilespmem:s5], [sflag:$0x4], $0x8000, $0x38;
	[tilespmem:$0x10000] =	vst v63  }
0x37: {  	_ =	swait.ge [sflag:s11], $0x8000  }
0x38: {  	[sflag:s11] =	ssyncset.done $0x0  }
0x39: {  	[sflag:s11] =	ssyncadd.s32 $0xFFFF8000  }
0x3a: {  	[tilespmem:s5], [sflag:$0x2] =	stream.linear.gather [hbm4b:s13+s2], $0x8000, $0x38;
	[tilespmem:$0x10000] =	vst v63  }
0x3b: {  	_ =	swait.ge [sflag:s6], $0x8000  }
0x3c: {  	[sflag:s6] =	ssyncset.done $0x0  }
0x3d: {  	[sflag:s6] =	ssyncadd.s32 $0xFFFF8000  }
0x3e: {  	[hbm4b:s14+s2] =	stream.linear.scatter [tilespmem:s2], [sflag:$0x3], $0x8000, $0x38;
	[tilespmem:$0x10000] =	vst v63  }
0x3f: {  	_ =	swait.ge [sflag:s10], $0x8000  }
0x40: {  	[sflag:s10] =	ssyncset.done $0x0  }
0x41: {  	[sflag:s10] =	ssyncadd.s32 $0xFFFF8000  }
0x42: {  	[hbm4b:s15+s2] =	stream.linear.scatter [tilespmem:s5], [sflag:$0x4], $0x8000, $0x38;
	[tilespmem:$0x10000] =	vst v63  }
.Ltmp1:
0x43: {  	_ =	swait.ge [sflag:s8], $0x8000;
	(pc) =	sbr.rel @p0 .LBB2_1-.Ltmp1, $4  }
0x44: {  	[sflag:s8] =	ssyncset.done $0x0  }
0x45: {  	[sflag:s8] =	ssyncadd.s32 $0xFFFF8000  }
0x46: {  	_ =	swait.ge [sflag:s11], $0x8000  }
0x47: {  	[sflag:s11] =	ssyncset.done $0x0  }
.LBB2_2:
0x48: {  	[sflag:s11] =	ssyncadd.s32 $0xFFFF8000  }
0x49: {  	_ =	sfence.sel $0x180000  }
0x4a: {  	[bflag:$0x0] =	sbarrier.arrive $0xFFFF  }
0x4b: {  	p0 =	sne.s32 s1, $0x0;
	_ =	strace $0x90000047  }
0x4c: {  	s0 =	sadd.s32 @!p0 $0x100000, s0;
	[bflag:$0x2] =	sbarrier.arrive $0xFFFF  }
0x4d: {  	[sflag:s0] =	ssyncadd.tile.s32 @!p0 $0x1;
	_ =	shalt  }
.Lfunc_end2:
_tile_overlayer_lowered:
.L_overlay_start_2:
0x4e: {  	(tag) =	ssettag $0x2  }
0x4f: {  	s0 =	rddreg [dreg:$0x0];
	s2 =	stileid.u32  }
0x50: {  	s1 =	rddreg [dreg:$0x1];
	p0 =	sne.s32 s2, $0x0  }
0x51: {  	s3 =	rddreg [dreg:$0x2];
	[bflag:$0x3] =	sbarrier.arrive $0xFFFF;
	s2 =	simm.s32 @!p0 $0x1C05  }
0x52: {  	[timem:s3], [sflag:s2] =	dma.local @!p0 [hbm:s0], s1  }
0x53: {  	s0 =	simm.s32 @!p0 $0x5  }
0x54: {  	_ =	swait.ge @!p0 [sflag:s0], s1  }
0x55: {  	s1 =	ssub.s32 @!p0 $0x0, s1;
	[sflag:s0] =	ssyncset.done @!p0 $0x0  }
0x56: {  	[sflag:s0] =	ssyncadd.s32 @!p0 s1  }
0x57: {  	[bflag:$0x3] =	sbarrier.arrive $0xFFFF  }
0x58: {  	_ =	shalt  }

</sc_bundles>
